<compile_context>
chip_gen: v7x
topology: tpu7x:2x2x1
jax: 0.10.2.dev20260603
libtpu: 0.0.44.dev20260713+nightly
codegen_flags: <defaults>
</compile_context>

<pallas_src>
import functools
import math

import jax
import jax.numpy as jnp
from jax import lax
from jax.experimental import pallas as pl
from jax.experimental.pallas import tpu as pltpu, tpu_sc as plsc

NC = 2
NS = 16
NW = NC * NS

CHUNK = 128
JSL = CHUNK // 128

ROW = 128
PAY = 16

_LN10_OVER_5 = math.log(10.0) / 5.0


@functools.lru_cache(maxsize=2)
def _build_sc_gather(n_hits: int):
    hits_per_w = n_hits // NW
    n_chunks = hits_per_w // CHUNK
    mesh = plsc.VectorSubcoreMesh(core_axis_name="c", subcore_axis_name="s")
    row_t = jax.ShapeDtypeStruct((n_hits, PAY), jnp.float32)

    @functools.partial(
        pl.kernel,
        out_type=[row_t, row_t, row_t],
        mesh=mesh,
        scratch_types=[
            pltpu.VMEM((JSL, 128), jnp.int32),
            pltpu.VMEM((JSL, 128), jnp.int32),
            pltpu.VMEM((JSL, 128), jnp.int32),
            pltpu.VMEM((JSL, 128), jnp.int32),
            pltpu.VMEM((CHUNK, ROW), jnp.float32),
            pltpu.VMEM((CHUNK, ROW), jnp.float32),
            pltpu.VMEM((CHUNK, ROW), jnp.float32),
            pltpu.VMEM((CHUNK, PAY), jnp.float32),
            pltpu.VMEM((CHUNK, PAY), jnp.float32),
            pltpu.VMEM((CHUNK, PAY), jnp.float32),
            pltpu.SemaphoreType.DMA,
        ],
    )
    def sc_gather(prim_hbm, iboa_hbm, ibob_hbm, iboc_hbm, tab_hbm,
                  rowa_hbm, rowb_hbm, rowc_hbm,
                  prim_v, ia_v, ib_v, ic_v, ra_v, rb_v, rc_v,
                  ca_v, cb_v, cc_v, sem):
        wid = lax.axis_index("s") * NC + lax.axis_index("c")
        base0 = wid * hits_per_w

        def chunk_body(ci, carry):
            base = base0 + ci * CHUNK
            pltpu.sync_copy(prim_hbm.at[wid * n_chunks + ci], prim_v)

            descs = []
            for j in range(JSL):
                idx = prim_v.at[j]
                descs.append(pltpu.async_copy(iboa_hbm.at[idx], ia_v.at[j], sem))
                descs.append(pltpu.async_copy(ibob_hbm.at[idx], ib_v.at[j], sem))
                descs.append(pltpu.async_copy(iboc_hbm.at[idx], ic_v.at[j], sem))
            for d in descs:
                d.wait()

            descs = []
            for j in range(JSL):
                sl = pl.ds(j * 128, 128)
                descs.append(pltpu.async_copy(tab_hbm.at[ia_v.at[j]], ra_v.at[sl], sem))
                descs.append(pltpu.async_copy(tab_hbm.at[ib_v.at[j]], rb_v.at[sl], sem))
                descs.append(pltpu.async_copy(tab_hbm.at[ic_v.at[j]], rc_v.at[sl], sem))
            for d in descs:
                d.wait()

            def row_body(r, c):
                ca_v[r, :] = ra_v[r, 0:PAY]
                cb_v[r, :] = rb_v[r, 0:PAY]
                cc_v[r, :] = rc_v[r, 0:PAY]
                return c

            lax.fori_loop(0, CHUNK, row_body, 0)

            out_sl = pl.ds(base, CHUNK)
            pltpu.sync_copy(ca_v, rowa_hbm.at[out_sl])
            pltpu.sync_copy(cb_v, rowb_hbm.at[out_sl])
            pltpu.sync_copy(cc_v, rowc_hbm.at[out_sl])
            return carry

        lax.fori_loop(0, n_chunks, chunk_body, 0)

    return sc_gather


def _tc_math(n_hits, block,
             ra_ref, rb_ref, rc_ref, pos_ref, nrm_ref, gain_ref, o_ref):
    ra = ra_ref[...]
    rb = rb_ref[...]
    rc = rc_ref[...]
    p3 = pos_ref[...]

    a3 = ra[0:3, :]
    v0 = rb[0:3, :] - a3
    v1 = rc[0:3, :] - a3
    v2 = p3 - a3
    d00 = jnp.sum(v0 * v0, axis=0, keepdims=True)
    d01 = jnp.sum(v0 * v1, axis=0, keepdims=True)
    d11 = jnp.sum(v1 * v1, axis=0, keepdims=True)
    d20 = jnp.sum(v2 * v0, axis=0, keepdims=True)
    d21 = jnp.sum(v2 * v1, axis=0, keepdims=True)
    denom = d00 * d11 - d01 * d01 + 1e-8
    v = (d11 * d20 - d01 * d21) / denom
    w = (d00 * d21 - d01 * d20) / denom
    u = 1.0 - v - w
    u = jnp.clip(u, 0.0, 1.0)
    v = jnp.clip(v, 0.0, 1.0)
    w = jnp.clip(w, 0.0, 1.0)
    rs = 1.0 / (u + v + w + 1e-8)
    wu = u * rs
    wv = v * rs
    ww = w * rs

    nm3 = wu * ra[11:14, :] + wv * rb[11:14, :] + ww * rc[11:14, :]
    nv = nrm_ref[...] + (nm3 * 2.0 - 1.0) * 0.25
    norm = jnp.sqrt(jnp.sum(nv * nv, axis=0, keepdims=True))
    cosine = jnp.clip(nv[2:3, :] / (norm + 1e-8), 0.0, 1.0)

    g = gain_ref[0, 0]
    scale = jnp.exp(g * _LN10_OVER_5) * (1.0 / n_hits)

    feat = wu * ra[3:11, :] + wv * rb[3:11, :] + ww * rc[3:11, :]
    o_ref[...] = feat * (cosine * scale)


@functools.lru_cache(maxsize=2)
def _build_tc_call(n_hits: int, block: int):
    grid = n_hits // block
    row_spec = pl.BlockSpec((PAY, block), lambda i: (0, i))
    vec_spec = pl.BlockSpec((3, block), lambda i: (0, i))
    return pl.pallas_call(
        functools.partial(_tc_math, n_hits, block),
        grid=(grid,),
        in_specs=[row_spec, row_spec, row_spec, vec_spec, vec_spec,
                  pl.BlockSpec((1, 1), lambda i: (0, 0))],
        out_specs=pl.BlockSpec((8, block), lambda i: (0, i)),
        out_shape=jax.ShapeDtypeStruct((8, n_hits), jnp.float32),
    )


def kernel(hit_positions, hit_normals, hit_primIDs, vbo, ibo, features,
           normal_features, gain_dB):
    n_hits = hit_positions.shape[0]
    n_feat = features.shape[1]
    pad = ROW - 3 - n_feat - 3
    table = jnp.concatenate(
        [vbo, features, normal_features,
         jnp.zeros((vbo.shape[0], pad), jnp.float32)], axis=1)
    iboa = ibo[:, 0].astype(jnp.int32)
    ibob = ibo[:, 1].astype(jnp.int32)
    iboc = ibo[:, 2].astype(jnp.int32)
    prim3d = hit_primIDs.reshape(n_hits // CHUNK, JSL, 128).astype(jnp.int32)

    rows_a, rows_b, rows_c = _build_sc_gather(n_hits)(
        prim3d, iboa, ibob, iboc, table)

    g11 = gain_dB.astype(jnp.float32).reshape(1, 1)
    out_t = _build_tc_call(n_hits, 2048)(
        rows_a.T, rows_b.T, rows_c.T, hit_positions.T, hit_normals.T, g11)
    return out_t.T

# --- scband reference (transcript-rebuilt; emitter-appended) ---
"""Pipeline reference for scband-diff-radar-material-29884382445938 (READ-ONLY COPY).

The authoritative reference and input builder live on the scoring server;
editing this copy changes nothing except your own understanding.
"""

import jax, jax.numpy as jnp
import numpy as np

N_HITS = 524288
N_VERTS = 100000
N_TRIS = 200000

def setup_inputs(seed: int = 0) -> dict:
    key = jax.random.key(seed)
    ks = jax.random.split(key, 8)
    hit_positions = jax.random.normal(ks[0], (N_HITS, 3), dtype=jnp.float32)
    hit_normals = jax.random.normal(ks[1], (N_HITS, 3), dtype=jnp.float32)
    hit_primIDs = jax.random.randint(ks[2], (N_HITS,), 0, N_TRIS)
    vbo = jax.random.normal(ks[3], (N_VERTS, 3), dtype=jnp.float32)
    ibo = jax.random.randint(ks[4], (N_TRIS, 3), 0, N_VERTS)
    features = 0.01 * jax.random.normal(ks[5], (N_VERTS, 8), dtype=jnp.float32)
    normal_features = 0.01 * jax.random.normal(ks[6], (N_VERTS, 3), dtype=jnp.float32)
    gain_dB = 6.0 * jnp.ones((1,), dtype=jnp.float32)
    return {
        'hit_positions': hit_positions,
        'hit_normals': hit_normals,
        'hit_primIDs': hit_primIDs,
        'vbo': vbo,
        'ibo': ibo,
        'features': features,
        'normal_features': normal_features,
        'gain_dB': gain_dB,
    }

def _mesh_lookup(hit_positions, tri, vbo, table):
    iA, iB, iC = tri[:, 0], tri[:, 1], tri[:, 2]
    A = jnp.take(vbo, iA, axis=0)
    B = jnp.take(vbo, iB, axis=0)
    C = jnp.take(vbo, iC, axis=0)
    v0 = B - A
    v1 = C - A
    v2 = hit_positions - A
    d00 = jnp.sum(v0 * v0, axis=-1)
    d01 = jnp.sum(v0 * v1, axis=-1)
    d11 = jnp.sum(v1 * v1, axis=-1)
    d20 = jnp.sum(v2 * v0, axis=-1)
    d21 = jnp.sum(v2 * v1, axis=-1)
    denom = d00 * d11 - d01 * d01 + 1e-8
    v = (d11 * d20 - d01 * d21) / denom
    w = (d00 * d21 - d01 * d20) / denom
    u = 1.0 - v - w
    bary = jnp.stack([u, v, w], axis=-1)
    bary = jnp.clip(bary, 0.0, 1.0)
    bary = bary / (jnp.sum(bary, axis=-1, keepdims=True) + 1e-8)
    fA = jnp.take(table, iA, axis=0)
    fB = jnp.take(table, iB, axis=0)
    fC = jnp.take(table, iC, axis=0)
    return bary[:, 0:1] * fA + bary[:, 1:2] * fB + bary[:, 2:3] * fC

def reference(hit_positions, hit_normals, hit_primIDs, vbo, ibo, features, normal_features, gain_dB):
    tri = jnp.take(ibo, hit_primIDs, axis=0)  # [N,3] embedding-style gather of triangle vertex ids
    # VertexMaterial: barycentric-interpolated per-vertex feature lookup (MeshLookupFunc)
    hit_material = _mesh_lookup(hit_positions, tri, vbo, features)  # [N,8]
    # VertexNormalmap: per-vertex normalmap lookup + perturbation + renormalize
    nm = _mesh_lookup(hit_positions, tri, vbo, normal_features)  # [N,3]
    Nv = hit_normals + (nm * 2.0 - 1.0) * 0.25
    Nv = Nv / (jnp.linalg.norm(Nv, axis=-1, keepdims=True) + 1e-8)
    radar_dir = jnp.array([0.0, 0.0, 1.0], dtype=jnp.float32)
    cosine = jnp.clip(jnp.sum(Nv * radar_dir, axis=-1), 0.0, 1.0)
    gain = jnp.power(10.0, gain_dB / 10.0) ** 2
    out = hit_material * cosine[:, None] * (gain / hit_positions.shape[0])
    return out

if False:  # reference __main__ guard neutralized (emitter)
    inp = setup_inputs()
    out = reference(**inp)
    print(out.shape, out.dtype)

if __name__ == "__main__":
    import jax
    _d = setup_inputs()
    print(jax.jit(kernel)(*tuple(_d.values())))

</pallas_src>

<mosaic_0001>
#map = affine_map<(d0, d1) -> (0, 0, 0)>
#map1 = affine_map<(d0, d1) -> (0)>
#map2 = affine_map<(d0, d1) -> (0, 0)>
module attributes {stable_mosaic.version = 14 : i64} {
  func.func @sc_gather(%arg0: i32, %arg1: i32, %arg2: memref<4096x1x128xi32, #tpu.memory_space<hbm>>, %arg3: memref<200000xi32, #tpu.memory_space<hbm>>, %arg4: memref<200000xi32, #tpu.memory_space<hbm>>, %arg5: memref<200000xi32, #tpu.memory_space<hbm>>, %arg6: memref<100000x128xf32, #tpu.memory_space<hbm>>, %arg7: memref<524288x16xf32, #tpu.memory_space<hbm>>, %arg8: memref<524288x16xf32, #tpu.memory_space<hbm>>, %arg9: memref<524288x16xf32, #tpu.memory_space<hbm>>, %arg10: memref<1x128xi32, #tpu.memory_space<vmem>>, %arg11: memref<1x128xi32, #tpu.memory_space<vmem>>, %arg12: memref<1x128xi32, #tpu.memory_space<vmem>>, %arg13: memref<1x128xi32, #tpu.memory_space<vmem>>, %arg14: memref<128x128xf32, #tpu.memory_space<vmem>>, %arg15: memref<128x128xf32, #tpu.memory_space<vmem>>, %arg16: memref<128x128xf32, #tpu.memory_space<vmem>>, %arg17: memref<128x16xf32, #tpu.memory_space<vmem>>, %arg18: memref<128x16xf32, #tpu.memory_space<vmem>>, %arg19: memref<128x16xf32, #tpu.memory_space<vmem>>, %arg20: memref<!tpu.dma_semaphore, #tpu.memory_space<semaphore_mem>>) attributes {dimension_semantics = [#tpu.dimension_semantics<core_parallel>, #tpu.dimension_semantics<subcore_parallel>], iteration_bounds = array<i64: 2, 16>, scalar_prefetch = 0 : i64, scratch_operands = 11 : i64, tpu.core_type = #tpu.core_type<sc_vector_subcore>, window_params = [{transform_indices = #map}, {transform_indices = #map1}, {transform_indices = #map1}, {transform_indices = #map1}, {transform_indices = #map2}, {transform_indices = #map2}, {transform_indices = #map2}, {transform_indices = #map2}]} {
    %mul3A = arith.constant 2 : i32
    %mul3A_0 = arith.muli %arg1, %mul3A : i32
    %add3A = arith.addi %mul3A_0, %arg0 : i32
    %mul3A_1 = arith.constant 16384 : i32
    %mul3A_2 = arith.muli %add3A, %mul3A_1 : i32
    %scan3A = arith.constant 0 : i32
    %scan3A_3 = arith.constant 0 : i32
    %scan3A_4 = arith.constant 128 : i32
    %scan3A_5 = arith.addi %scan3A_3, %scan3A_4 : i32
    %scan3A_6 = arith.constant 1 : i32
    scf.for %scan3A_8 = %scan3A_3 to %scan3A_5 step %scan3A_6  : i32 {
      %mul3A_9 = arith.constant 128 : i32
      %mul3A_10 = arith.muli %scan3A_8, %mul3A_9 : i32
      %add3A_11 = arith.addi %mul3A_2, %mul3A_10 : i32
      %mul3A_12 = arith.constant 128 : i32
      %mul3A_13 = arith.muli %add3A, %mul3A_12 : i32
      %add3A_14 = arith.addi %mul3A_13, %scan3A_8 : i32
      "tpu.region"() ({
        %run_scoped3A = tpu.sem_alloc : memref<!tpu.dma_semaphore, #tpu.memory_space<semaphore_mem>>
        %dma_start3A_139 = arith.constant 0 : i32
        %dma_start3A_140 = arith.constant 0 : i32
        %dma_start3A_141 = tpu.memref_slice %arg2[%add3A_14, %dma_start3A_139, %dma_start3A_140] : memref<4096x1x128xi32, #tpu.memory_space<hbm>> -> memref<1x1x128xi32, #tpu.memory_space<hbm>>
        %dma_start3A_142 = tpu.memref_squeeze %dma_start3A_141 : memref<1x1x128xi32, #tpu.memory_space<hbm>> -> memref<1x128xi32, #tpu.memory_space<hbm>>
        %dma_start3A_143 = arith.constant 0 : i32
        %dma_start3A_144 = arith.constant 0 : i32
        %dma_start3A_145 = tpu.memref_slice %arg2[%add3A_14, %dma_start3A_143, %dma_start3A_144] : memref<4096x1x128xi32, #tpu.memory_space<hbm>> -> memref<1x1x128xi32, #tpu.memory_space<hbm>>
        %dma_start3A_146 = tpu.memref_squeeze %dma_start3A_145 : memref<1x1x128xi32, #tpu.memory_space<hbm>> -> memref<1x128xi32, #tpu.memory_space<hbm>>
        tpu.enqueue_dma source(%dma_start3A_146 : memref<1x128xi32, #tpu.memory_space<hbm>>) target(%arg10 : memref<1x128xi32, #tpu.memory_space<vmem>>) target_semaphore(%run_scoped3A : memref<!tpu.dma_semaphore, #tpu.memory_space<semaphore_mem>>)
        %dma_wait3A_147 = arith.constant 0 : i32
        %dma_wait3A_148 = arith.constant 0 : i32
        %dma_wait3A_149 = tpu.memref_slice %arg2[%add3A_14, %dma_wait3A_147, %dma_wait3A_148] : memref<4096x1x128xi32, #tpu.memory_space<hbm>> -> memref<1x1x128xi32, #tpu.memory_space<hbm>>
        %dma_wait3A_150 = tpu.memref_squeeze %dma_wait3A_149 : memref<1x1x128xi32, #tpu.memory_space<hbm>> -> memref<1x128xi32, #tpu.memory_space<hbm>>
        %dma_wait3A_151 = arith.constant 0 : i32
        %dma_wait3A_152 = arith.constant 0 : i32
        %dma_wait3A_153 = tpu.memref_slice %arg2[%add3A_14, %dma_wait3A_151, %dma_wait3A_152] : memref<4096x1x128xi32, #tpu.memory_space<hbm>> -> memref<1x1x128xi32, #tpu.memory_space<hbm>>
        %dma_wait3A_154 = tpu.memref_squeeze %dma_wait3A_153 : memref<1x1x128xi32, #tpu.memory_space<hbm>> -> memref<1x128xi32, #tpu.memory_space<hbm>>
        tpu.wait_dma2 semaphore(%run_scoped3A : memref<!tpu.dma_semaphore, #tpu.memory_space<semaphore_mem>>) src(%dma_wait3A_154 : memref<1x128xi32, #tpu.memory_space<hbm>>) dst(%arg10 : memref<1x128xi32, #tpu.memory_space<vmem>>)
        tpu.yield
      }) : () -> ()
      %dma_start3A = arith.constant 0 : i32
      %dma_start3A_15 = arith.constant 0 : i32
      %dma_start3A_16 = arith.constant 0 : i32
      %dma_start3A_17 = tpu.memref_slice %arg11[%dma_start3A_15, %dma_start3A_16] : memref<1x128xi32, #tpu.memory_space<vmem>> -> memref<1x128xi32, #tpu.memory_space<vmem>>
      %dma_start3A_18 = tpu.memref_squeeze %dma_start3A_17 : memref<1x128xi32, #tpu.memory_space<vmem>> -> memref<128xi32, #tpu.memory_space<vmem>>
      %dma_start3A_19 = arith.constant 0 : i32
      %dma_start3A_20 = tpu.memref_slice %arg10[%dma_start3A, %dma_start3A_19] : memref<1x128xi32, #tpu.memory_space<vmem>> -> memref<1x128xi32, #tpu.memory_space<vmem>>
      %dma_start3A_21 = tpu.memref_squeeze %dma_start3A_20 : memref<1x128xi32, #tpu.memory_space<vmem>> -> memref<128xi32, #tpu.memory_space<vmem>>
      %dma_start3A_22 = arith.constant 0 : i32
      %dma_start3A_23 = tpu.memref_slice %arg3[%dma_start3A_22] : memref<200000xi32, #tpu.memory_space<hbm>> -> memref<200000xi32, #tpu.memory_space<hbm>>
      tpu.enqueue_indirect_dma source(%dma_start3A_23 : memref<200000xi32, #tpu.memory_space<hbm>>) target(%dma_start3A_18 : memref<128xi32, #tpu.memory_space<vmem>>) offsets(%dma_start3A_21 : memref<128xi32, #tpu.memory_space<vmem>>) semaphore(%arg20 : memref<!tpu.dma_semaphore, #tpu.memory_space<semaphore_mem>>)
      %dma_start3A_24 = arith.constant 0 : i32
      %dma_start3A_25 = arith.constant 0 : i32
      %dma_start3A_26 = arith.constant 0 : i32
      %dma_start3A_27 = tpu.memref_slice %arg12[%dma_start3A_25, %dma_start3A_26] : memref<1x128xi32, #tpu.memory_space<vmem>> -> memref<1x128xi32, #tpu.memory_space<vmem>>
      %dma_start3A_28 = tpu.memref_squeeze %dma_start3A_27 : memref<1x128xi32, #tpu.memory_space<vmem>> -> memref<128xi32, #tpu.memory_space<vmem>>
      %dma_start3A_29 = arith.constant 0 : i32
      %dma_start3A_30 = tpu.memref_slice %arg10[%dma_start3A_24, %dma_start3A_29] : memref<1x128xi32, #tpu.memory_space<vmem>> -> memref<1x128xi32, #tpu.memory_space<vmem>>
      %dma_start3A_31 = tpu.memref_squeeze %dma_start3A_30 : memref<1x128xi32, #tpu.memory_space<vmem>> -> memref<128xi32, #tpu.memory_space<vmem>>
      %dma_start3A_32 = arith.constant 0 : i32
      %dma_start3A_33 = tpu.memref_slice %arg4[%dma_start3A_32] : memref<200000xi32, #tpu.memory_space<hbm>> -> memref<200000xi32, #tpu.memory_space<hbm>>
      tpu.enqueue_indirect_dma source(%dma_start3A_33 : memref<200000xi32, #tpu.memory_space<hbm>>) target(%dma_start3A_28 : memref<128xi32, #tpu.memory_space<vmem>>) offsets(%dma_start3A_31 : memref<128xi32, #tpu.memory_space<vmem>>) semaphore(%arg20 : memref<!tpu.dma_semaphore, #tpu.memory_space<semaphore_mem>>)
      %dma_start3A_34 = arith.constant 0 : i32
      %dma_start3A_35 = arith.constant 0 : i32
      %dma_start3A_36 = arith.constant 0 : i32
      %dma_start3A_37 = tpu.memref_slice %arg13[%dma_start3A_35, %dma_start3A_36] : memref<1x128xi32, #tpu.memory_space<vmem>> -> memref<1x128xi32, #tpu.memory_space<vmem>>
      %dma_start3A_38 = tpu.memref_squeeze %dma_start3A_37 : memref<1x128xi32, #tpu.memory_space<vmem>> -> memref<128xi32, #tpu.memory_space<vmem>>
      %dma_start3A_39 = arith.constant 0 : i32
      %dma_start3A_40 = tpu.memref_slice %arg10[%dma_start3A_34, %dma_start3A_39] : memref<1x128xi32, #tpu.memory_space<vmem>> -> memref<1x128xi32, #tpu.memory_space<vmem>>
      %dma_start3A_41 = tpu.memref_squeeze %dma_start3A_40 : memref<1x128xi32, #tpu.memory_space<vmem>> -> memref<128xi32, #tpu.memory_space<vmem>>
      %dma_start3A_42 = arith.constant 0 : i32
      %dma_start3A_43 = tpu.memref_slice %arg5[%dma_start3A_42] : memref<200000xi32, #tpu.memory_space<hbm>> -> memref<200000xi32, #tpu.memory_space<hbm>>
      tpu.enqueue_indirect_dma source(%dma_start3A_43 : memref<200000xi32, #tpu.memory_space<hbm>>) target(%dma_start3A_38 : memref<128xi32, #tpu.memory_space<vmem>>) offsets(%dma_start3A_41 : memref<128xi32, #tpu.memory_space<vmem>>) semaphore(%arg20 : memref<!tpu.dma_semaphore, #tpu.memory_space<semaphore_mem>>)
      %dma_wait3A = arith.constant 0 : i32
      %dma_wait3A_44 = arith.constant 0 : i32
      %dma_wait3A_45 = arith.constant 0 : i32
      %dma_wait3A_46 = tpu.memref_slice %arg11[%dma_wait3A_44, %dma_wait3A_45] : memref<1x128xi32, #tpu.memory_space<vmem>> -> memref<1x128xi32, #tpu.memory_space<vmem>>
      %dma_wait3A_47 = tpu.memref_squeeze %dma_wait3A_46 : memref<1x128xi32, #tpu.memory_space<vmem>> -> memref<128xi32, #tpu.memory_space<vmem>>
      %dma_wait3A_48 = arith.constant 0 : i32
      %dma_wait3A_49 = tpu.memref_slice %arg10[%dma_wait3A, %dma_wait3A_48] : memref<1x128xi32, #tpu.memory_space<vmem>> -> memref<1x128xi32, #tpu.memory_space<vmem>>
      %dma_wait3A_50 = tpu.memref_squeeze %dma_wait3A_49 : memref<1x128xi32, #tpu.memory_space<vmem>> -> memref<128xi32, #tpu.memory_space<vmem>>
      %dma_wait3A_51 = arith.constant 0 : i32
      %dma_wait3A_52 = tpu.memref_slice %arg3[%dma_wait3A_51] : memref<200000xi32, #tpu.memory_space<hbm>> -> memref<200000xi32, #tpu.memory_space<hbm>>
      tpu.wait_indirect_dma semaphore(%arg20 : memref<!tpu.dma_semaphore, #tpu.memory_space<semaphore_mem>>) src(%dma_wait3A_52 : memref<200000xi32, #tpu.memory_space<hbm>>) dst(%dma_wait3A_47 : memref<128xi32, #tpu.memory_space<vmem>>)
      %dma_wait3A_53 = arith.constant 0 : i32
      %dma_wait3A_54 = arith.constant 0 : i32
      %dma_wait3A_55 = arith.constant 0 : i32
      %dma_wait3A_56 = tpu.memref_slice %arg12[%dma_wait3A_54, %dma_wait3A_55] : memref<1x128xi32, #tpu.memory_space<vmem>> -> memref<1x128xi32, #tpu.memory_space<vmem>>
      %dma_wait3A_57 = tpu.memref_squeeze %dma_wait3A_56 : memref<1x128xi32, #tpu.memory_space<vmem>> -> memref<128xi32, #tpu.memory_space<vmem>>
      %dma_wait3A_58 = arith.constant 0 : i32
      %dma_wait3A_59 = tpu.memref_slice %arg10[%dma_wait3A_53, %dma_wait3A_58] : memref<1x128xi32, #tpu.memory_space<vmem>> -> memref<1x128xi32, #tpu.memory_space<vmem>>
      %dma_wait3A_60 = tpu.memref_squeeze %dma_wait3A_59 : memref<1x128xi32, #tpu.memory_space<vmem>> -> memref<128xi32, #tpu.memory_space<vmem>>
      %dma_wait3A_61 = arith.constant 0 : i32
      %dma_wait3A_62 = tpu.memref_slice %arg4[%dma_wait3A_61] : memref<200000xi32, #tpu.memory_space<hbm>> -> memref<200000xi32, #tpu.memory_space<hbm>>
      tpu.wait_indirect_dma semaphore(%arg20 : memref<!tpu.dma_semaphore, #tpu.memory_space<semaphore_mem>>) src(%dma_wait3A_62 : memref<200000xi32, #tpu.memory_space<hbm>>) dst(%dma_wait3A_57 : memref<128xi32, #tpu.memory_space<vmem>>)
      %dma_wait3A_63 = arith.constant 0 : i32
      %dma_wait3A_64 = arith.constant 0 : i32
      %dma_wait3A_65 = arith.constant 0 : i32
      %dma_wait3A_66 = tpu.memref_slice %arg13[%dma_wait3A_64, %dma_wait3A_65] : memref<1x128xi32, #tpu.memory_space<vmem>> -> memref<1x128xi32, #tpu.memory_space<vmem>>
      %dma_wait3A_67 = tpu.memref_squeeze %dma_wait3A_66 : memref<1x128xi32, #tpu.memory_space<vmem>> -> memref<128xi32, #tpu.memory_space<vmem>>
      %dma_wait3A_68 = arith.constant 0 : i32
      %dma_wait3A_69 = tpu.memref_slice %arg10[%dma_wait3A_63, %dma_wait3A_68] : memref<1x128xi32, #tpu.memory_space<vmem>> -> memref<1x128xi32, #tpu.memory_space<vmem>>
      %dma_wait3A_70 = tpu.memref_squeeze %dma_wait3A_69 : memref<1x128xi32, #tpu.memory_space<vmem>> -> memref<128xi32, #tpu.memory_space<vmem>>
      %dma_wait3A_71 = arith.constant 0 : i32
      %dma_wait3A_72 = tpu.memref_slice %arg5[%dma_wait3A_71] : memref<200000xi32, #tpu.memory_space<hbm>> -> memref<200000xi32, #tpu.memory_space<hbm>>
      tpu.wait_indirect_dma semaphore(%arg20 : memref<!tpu.dma_semaphore, #tpu.memory_space<semaphore_mem>>) src(%dma_wait3A_72 : memref<200000xi32, #tpu.memory_space<hbm>>) dst(%dma_wait3A_67 : memref<128xi32, #tpu.memory_space<vmem>>)
      %dma_start3A_73 = arith.constant 0 : i32
      %dma_start3A_74 = arith.constant 0 : i32
      %dma_start3A_75 = arith.constant 0 : i32
      %dma_start3A_76 = tpu.memref_slice %arg14[%dma_start3A_74, %dma_start3A_75] : memref<128x128xf32, #tpu.memory_space<vmem>> -> memref<128x128xf32, #tpu.memory_space<vmem>>
      %dma_start3A_77 = arith.constant 0 : i32
      %dma_start3A_78 = tpu.memref_slice %arg11[%dma_start3A_73, %dma_start3A_77] : memref<1x128xi32, #tpu.memory_space<vmem>> -> memref<1x128xi32, #tpu.memory_space<vmem>>
      %dma_start3A_79 = tpu.memref_squeeze %dma_start3A_78 : memref<1x128xi32, #tpu.memory_space<vmem>> -> memref<128xi32, #tpu.memory_space<vmem>>
      %dma_start3A_80 = arith.constant 0 : i32
      %dma_start3A_81 = arith.constant 0 : i32
      %dma_start3A_82 = tpu.memref_slice %arg6[%dma_start3A_80, %dma_start3A_81] : memref<100000x128xf32, #tpu.memory_space<hbm>> -> memref<100000x128xf32, #tpu.memory_space<hbm>>
      tpu.enqueue_indirect_dma source(%dma_start3A_82 : memref<100000x128xf32, #tpu.memory_space<hbm>>) target(%dma_start3A_76 : memref<128x128xf32, #tpu.memory_space<vmem>>) offsets(%dma_start3A_79 : memref<128xi32, #tpu.memory_space<vmem>>) semaphore(%arg20 : memref<!tpu.dma_semaphore, #tpu.memory_space<semaphore_mem>>)
      %dma_start3A_83 = arith.constant 0 : i32
      %dma_start3A_84 = arith.constant 0 : i32
      %dma_start3A_85 = arith.constant 0 : i32
      %dma_start3A_86 = tpu.memref_slice %arg15[%dma_start3A_84, %dma_start3A_85] : memref<128x128xf32, #tpu.memory_space<vmem>> -> memref<128x128xf32, #tpu.memory_space<vmem>>
      %dma_start3A_87 = arith.constant 0 : i32
      %dma_start3A_88 = tpu.memref_slice %arg12[%dma_start3A_83, %dma_start3A_87] : memref<1x128xi32, #tpu.memory_space<vmem>> -> memref<1x128xi32, #tpu.memory_space<vmem>>
      %dma_start3A_89 = tpu.memref_squeeze %dma_start3A_88 : memref<1x128xi32, #tpu.memory_space<vmem>> -> memref<128xi32, #tpu.memory_space<vmem>>
      %dma_start3A_90 = arith.constant 0 : i32
      %dma_start3A_91 = arith.constant 0 : i32
      %dma_start3A_92 = tpu.memref_slice %arg6[%dma_start3A_90, %dma_start3A_91] : memref<100000x128xf32, #tpu.memory_space<hbm>> -> memref<100000x128xf32, #tpu.memory_space<hbm>>
      tpu.enqueue_indirect_dma source(%dma_start3A_92 : memref<100000x128xf32, #tpu.memory_space<hbm>>) target(%dma_start3A_86 : memref<128x128xf32, #tpu.memory_space<vmem>>) offsets(%dma_start3A_89 : memref<128xi32, #tpu.memory_space<vmem>>) semaphore(%arg20 : memref<!tpu.dma_semaphore, #tpu.memory_space<semaphore_mem>>)
      %dma_start3A_93 = arith.constant 0 : i32
      %dma_start3A_94 = arith.constant 0 : i32
      %dma_start3A_95 = arith.constant 0 : i32
      %dma_start3A_96 = tpu.memref_slice %arg16[%dma_start3A_94, %dma_start3A_95] : memref<128x128xf32, #tpu.memory_space<vmem>> -> memref<128x128xf32, #tpu.memory_space<vmem>>
      %dma_start3A_97 = arith.constant 0 : i32
      %dma_start3A_98 = tpu.memref_slice %arg13[%dma_start3A_93, %dma_start3A_97] : memref<1x128xi32, #tpu.memory_space<vmem>> -> memref<1x128xi32, #tpu.memory_space<vmem>>
      %dma_start3A_99 = tpu.memref_squeeze %dma_start3A_98 : memref<1x128xi32, #tpu.memory_space<vmem>> -> memref<128xi32, #tpu.memory_space<vmem>>
      %dma_start3A_100 = arith.constant 0 : i32
      %dma_start3A_101 = arith.constant 0 : i32
      %dma_start3A_102 = tpu.memref_slice %arg6[%dma_start3A_100, %dma_start3A_101] : memref<100000x128xf32, #tpu.memory_space<hbm>> -> memref<100000x128xf32, #tpu.memory_space<hbm>>
      tpu.enqueue_indirect_dma source(%dma_start3A_102 : memref<100000x128xf32, #tpu.memory_space<hbm>>) target(%dma_start3A_96 : memref<128x128xf32, #tpu.memory_space<vmem>>) offsets(%dma_start3A_99 : memref<128xi32, #tpu.memory_space<vmem>>) semaphore(%arg20 : memref<!tpu.dma_semaphore, #tpu.memory_space<semaphore_mem>>)
      %dma_wait3A_103 = arith.constant 0 : i32
      %dma_wait3A_104 = arith.constant 0 : i32
      %dma_wait3A_105 = arith.constant 0 : i32
      %dma_wait3A_106 = tpu.memref_slice %arg14[%dma_wait3A_104, %dma_wait3A_105] : memref<128x128xf32, #tpu.memory_space<vmem>> -> memref<128x128xf32, #tpu.memory_space<vmem>>
      %dma_wait3A_107 = arith.constant 0 : i32
      %dma_wait3A_108 = tpu.memref_slice %arg11[%dma_wait3A_103, %dma_wait3A_107] : memref<1x128xi32, #tpu.memory_space<vmem>> -> memref<1x128xi32, #tpu.memory_space<vmem>>
      %dma_wait3A_109 = tpu.memref_squeeze %dma_wait3A_108 : memref<1x128xi32, #tpu.memory_space<vmem>> -> memref<128xi32, #tpu.memory_space<vmem>>
      %dma_wait3A_110 = arith.constant 0 : i32
      %dma_wait3A_111 = arith.constant 0 : i32
      %dma_wait3A_112 = tpu.memref_slice %arg6[%dma_wait3A_110, %dma_wait3A_111] : memref<100000x128xf32, #tpu.memory_space<hbm>> -> memref<100000x128xf32, #tpu.memory_space<hbm>>
      tpu.wait_indirect_dma semaphore(%arg20 : memref<!tpu.dma_semaphore, #tpu.memory_space<semaphore_mem>>) src(%dma_wait3A_112 : memref<100000x128xf32, #tpu.memory_space<hbm>>) dst(%dma_wait3A_106 : memref<128x128xf32, #tpu.memory_space<vmem>>)
      %dma_wait3A_113 = arith.constant 0 : i32
      %dma_wait3A_114 = arith.constant 0 : i32
      %dma_wait3A_115 = arith.constant 0 : i32
      %dma_wait3A_116 = tpu.memref_slice %arg15[%dma_wait3A_114, %dma_wait3A_115] : memref<128x128xf32, #tpu.memory_space<vmem>> -> memref<128x128xf32, #tpu.memory_space<vmem>>
      %dma_wait3A_117 = arith.constant 0 : i32
      %dma_wait3A_118 = tpu.memref_slice %arg12[%dma_wait3A_113, %dma_wait3A_117] : memref<1x128xi32, #tpu.memory_space<vmem>> -> memref<1x128xi32, #tpu.memory_space<vmem>>
      %dma_wait3A_119 = tpu.memref_squeeze %dma_wait3A_118 : memref<1x128xi32, #tpu.memory_space<vmem>> -> memref<128xi32, #tpu.memory_space<vmem>>
      %dma_wait3A_120 = arith.constant 0 : i32
      %dma_wait3A_121 = arith.constant 0 : i32
      %dma_wait3A_122 = tpu.memref_slice %arg6[%dma_wait3A_120, %dma_wait3A_121] : memref<100000x128xf32, #tpu.memory_space<hbm>> -> memref<100000x128xf32, #tpu.memory_space<hbm>>
      tpu.wait_indirect_dma semaphore(%arg20 : memref<!tpu.dma_semaphore, #tpu.memory_space<semaphore_mem>>) src(%dma_wait3A_122 : memref<100000x128xf32, #tpu.memory_space<hbm>>) dst(%dma_wait3A_116 : memref<128x128xf32, #tpu.memory_space<vmem>>)
      %dma_wait3A_123 = arith.constant 0 : i32
      %dma_wait3A_124 = arith.constant 0 : i32
      %dma_wait3A_125 = arith.constant 0 : i32
      %dma_wait3A_126 = tpu.memref_slice %arg16[%dma_wait3A_124, %dma_wait3A_125] : memref<128x128xf32, #tpu.memory_space<vmem>> -> memref<128x128xf32, #tpu.memory_space<vmem>>
      %dma_wait3A_127 = arith.constant 0 : i32
      %dma_wait3A_128 = tpu.memref_slice %arg13[%dma_wait3A_123, %dma_wait3A_127] : memref<1x128xi32, #tpu.memory_space<vmem>> -> memref<1x128xi32, #tpu.memory_space<vmem>>
      %dma_wait3A_129 = tpu.memref_squeeze %dma_wait3A_128 : memref<1x128xi32, #tpu.memory_space<vmem>> -> memref<128xi32, #tpu.memory_space<vmem>>
      %dma_wait3A_130 = arith.constant 0 : i32
      %dma_wait3A_131 = arith.constant 0 : i32
      %dma_wait3A_132 = tpu.memref_slice %arg6[%dma_wait3A_130, %dma_wait3A_131] : memref<100000x128xf32, #tpu.memory_space<hbm>> -> memref<100000x128xf32, #tpu.memory_space<hbm>>
      tpu.wait_indirect_dma semaphore(%arg20 : memref<!tpu.dma_semaphore, #tpu.memory_space<semaphore_mem>>) src(%dma_wait3A_132 : memref<100000x128xf32, #tpu.memory_space<hbm>>) dst(%dma_wait3A_126 : memref<128x128xf32, #tpu.memory_space<vmem>>)
      %scan3A_133 = arith.constant 0 : i32
      %scan3A_134 = arith.constant 0 : i32
      %scan3A_135 = arith.constant 128 : i32
      %scan3A_136 = arith.addi %scan3A_134, %scan3A_135 : i32
      %scan3A_137 = arith.constant 1 : i32
      scf.for %scan3A_139 = %scan3A_134 to %scan3A_136 step %scan3A_137  : i32 {
        %get3A = arith.index_cast %scan3A_139 : i32 to index
        %get3A_140 = arith.constant 0 : index
        %get3A_141 = tpu.vector_load %arg14[%get3A, %get3A_140] {strides = array<i32>} : memref<128x128xf32, #tpu.memory_space<vmem>>, vector<1x16xf32>,
        %get3A_142 = vector.shape_cast %get3A_141 : vector<1x16xf32> to vector<16xf32>
        %swap3A = arith.index_cast %scan3A_139 : i32 to index
        %swap3A_143 = arith.constant 0 : index
        %swap3A_144 = tpu.vector_load %arg17[%swap3A, %swap3A_143] {strides = array<i32>} : memref<128x16xf32, #tpu.memory_space<vmem>>, vector<1x16xf32>,
        %swap3A_145 = vector.shape_cast %swap3A_144 : vector<1x16xf32> to vector<16xf32>
        %swap3A_146 = vector.shape_cast %get3A_142 : vector<16xf32> to vector<1x16xf32>
        tpu.vector_store %arg17[%swap3A, %swap3A_143], %swap3A_146 {strides = array<i32>} : memref<128x16xf32, #tpu.memory_space<vmem>>, vector<1x16xf32>,
        %get3A_147 = arith.index_cast %scan3A_139 : i32 to index
        %get3A_148 = arith.constant 0 : index
        %get3A_149 = tpu.vector_load %arg15[%get3A_147, %get3A_148] {strides = array<i32>} : memref<128x128xf32, #tpu.memory_space<vmem>>, vector<1x16xf32>,
        %get3A_150 = vector.shape_cast %get3A_149 : vector<1x16xf32> to vector<16xf32>
        %swap3A_151 = arith.index_cast %scan3A_139 : i32 to index
        %swap3A_152 = arith.constant 0 : index
        %swap3A_153 = tpu.vector_load %arg18[%swap3A_151, %swap3A_152] {strides = array<i32>} : memref<128x16xf32, #tpu.memory_space<vmem>>, vector<1x16xf32>,
        %swap3A_154 = vector.shape_cast %swap3A_153 : vector<1x16xf32> to vector<16xf32>
        %swap3A_155 = vector.shape_cast %get3A_150 : vector<16xf32> to vector<1x16xf32>
        tpu.vector_store %arg18[%swap3A_151, %swap3A_152], %swap3A_155 {strides = array<i32>} : memref<128x16xf32, #tpu.memory_space<vmem>>, vector<1x16xf32>,
        %get3A_156 = arith.index_cast %scan3A_139 : i32 to index
        %get3A_157 = arith.constant 0 : index
        %get3A_158 = tpu.vector_load %arg16[%get3A_156, %get3A_157] {strides = array<i32>} : memref<128x128xf32, #tpu.memory_space<vmem>>, vector<1x16xf32>,
        %get3A_159 = vector.shape_cast %get3A_158 : vector<1x16xf32> to vector<16xf32>
        %swap3A_160 = arith.index_cast %scan3A_139 : i32 to index
        %swap3A_161 = arith.constant 0 : index
        %swap3A_162 = tpu.vector_load %arg19[%swap3A_160, %swap3A_161] {strides = array<i32>} : memref<128x16xf32, #tpu.memory_space<vmem>>, vector<1x16xf32>,
        %swap3A_163 = vector.shape_cast %swap3A_162 : vector<1x16xf32> to vector<16xf32>
        %swap3A_164 = vector.shape_cast %get3A_159 : vector<16xf32> to vector<1x16xf32>
        tpu.vector_store %arg19[%swap3A_160, %swap3A_161], %swap3A_164 {strides = array<i32>} : memref<128x16xf32, #tpu.memory_space<vmem>>, vector<1x16xf32>,
      }
      %scan3A_138 = arith.constant 128 : i32
      "tpu.region"() ({
        %run_scoped3A = tpu.sem_alloc : memref<!tpu.dma_semaphore, #tpu.memory_space<semaphore_mem>>
        %dma_start3A_139 = arith.constant 0 : i32
        %dma_start3A_140 = tpu.memref_slice %arg7[%add3A_11, %dma_start3A_139] : memref<524288x16xf32, #tpu.memory_space<hbm>> -> memref<128x16xf32, #tpu.memory_space<hbm>>
        %dma_start3A_141 = arith.constant 0 : i32
        %dma_start3A_142 = tpu.memref_slice %arg7[%add3A_11, %dma_start3A_141] : memref<524288x16xf32, #tpu.memory_space<hbm>> -> memref<128x16xf32, #tpu.memory_space<hbm>>
        tpu.enqueue_dma source(%arg17 : memref<128x16xf32, #tpu.memory_space<vmem>>) target(%dma_start3A_142 : memref<128x16xf32, #tpu.memory_space<hbm>>) target_semaphore(%run_scoped3A : memref<!tpu.dma_semaphore, #tpu.memory_space<semaphore_mem>>)
        %dma_wait3A_143 = arith.constant 0 : i32
        %dma_wait3A_144 = tpu.memref_slice %arg7[%add3A_11, %dma_wait3A_143] : memref<524288x16xf32, #tpu.memory_space<hbm>> -> memref<128x16xf32, #tpu.memory_space<hbm>>
        %dma_wait3A_145 = arith.constant 0 : i32
        %dma_wait3A_146 = tpu.memref_slice %arg7[%add3A_11, %dma_wait3A_145] : memref<524288x16xf32, #tpu.memory_space<hbm>> -> memref<128x16xf32, #tpu.memory_space<hbm>>
        tpu.wait_dma2 semaphore(%run_scoped3A : memref<!tpu.dma_semaphore, #tpu.memory_space<semaphore_mem>>) src(%arg17 : memref<128x16xf32, #tpu.memory_space<vmem>>) dst(%dma_wait3A_146 : memref<128x16xf32, #tpu.memory_space<hbm>>)
        tpu.yield
      }) : () -> ()
      "tpu.region"() ({
        %run_scoped3A = tpu.sem_alloc : memref<!tpu.dma_semaphore, #tpu.memory_space<semaphore_mem>>
        %dma_start3A_139 = arith.constant 0 : i32
        %dma_start3A_140 = tpu.memref_slice %arg8[%add3A_11, %dma_start3A_139] : memref<524288x16xf32, #tpu.memory_space<hbm>> -> memref<128x16xf32, #tpu.memory_space<hbm>>
        %dma_start3A_141 = arith.constant 0 : i32
        %dma_start3A_142 = tpu.memref_slice %arg8[%add3A_11, %dma_start3A_141] : memref<524288x16xf32, #tpu.memory_space<hbm>> -> memref<128x16xf32, #tpu.memory_space<hbm>>
        tpu.enqueue_dma source(%arg18 : memref<128x16xf32, #tpu.memory_space<vmem>>) target(%dma_start3A_142 : memref<128x16xf32, #tpu.memory_space<hbm>>) target_semaphore(%run_scoped3A : memref<!tpu.dma_semaphore, #tpu.memory_space<semaphore_mem>>)
        %dma_wait3A_143 = arith.constant 0 : i32
        %dma_wait3A_144 = tpu.memref_slice %arg8[%add3A_11, %dma_wait3A_143] : memref<524288x16xf32, #tpu.memory_space<hbm>> -> memref<128x16xf32, #tpu.memory_space<hbm>>
        %dma_wait3A_145 = arith.constant 0 : i32
        %dma_wait3A_146 = tpu.memref_slice %arg8[%add3A_11, %dma_wait3A_145] : memref<524288x16xf32, #tpu.memory_space<hbm>> -> memref<128x16xf32, #tpu.memory_space<hbm>>
        tpu.wait_dma2 semaphore(%run_scoped3A : memref<!tpu.dma_semaphore, #tpu.memory_space<semaphore_mem>>) src(%arg18 : memref<128x16xf32, #tpu.memory_space<vmem>>) dst(%dma_wait3A_146 : memref<128x16xf32, #tpu.memory_space<hbm>>)
        tpu.yield
      }) : () -> ()
      "tpu.region"() ({
        %run_scoped3A = tpu.sem_alloc : memref<!tpu.dma_semaphore, #tpu.memory_space<semaphore_mem>>
        %dma_start3A_139 = arith.constant 0 : i32
        %dma_start3A_140 = tpu.memref_slice %arg9[%add3A_11, %dma_start3A_139] : memref<524288x16xf32, #tpu.memory_space<hbm>> -> memref<128x16xf32, #tpu.memory_space<hbm>>
        %dma_start3A_141 = arith.constant 0 : i32
        %dma_start3A_142 = tpu.memref_slice %arg9[%add3A_11, %dma_start3A_141] : memref<524288x16xf32, #tpu.memory_space<hbm>> -> memref<128x16xf32, #tpu.memory_space<hbm>>
        tpu.enqueue_dma source(%arg19 : memref<128x16xf32, #tpu.memory_space<vmem>>) target(%dma_start3A_142 : memref<128x16xf32, #tpu.memory_space<hbm>>) target_semaphore(%run_scoped3A : memref<!tpu.dma_semaphore, #tpu.memory_space<semaphore_mem>>)
        %dma_wait3A_143 = arith.constant 0 : i32
        %dma_wait3A_144 = tpu.memref_slice %arg9[%add3A_11, %dma_wait3A_143] : memref<524288x16xf32, #tpu.memory_space<hbm>> -> memref<128x16xf32, #tpu.memory_space<hbm>>
        %dma_wait3A_145 = arith.constant 0 : i32
        %dma_wait3A_146 = tpu.memref_slice %arg9[%add3A_11, %dma_wait3A_145] : memref<524288x16xf32, #tpu.memory_space<hbm>> -> memref<128x16xf32, #tpu.memory_space<hbm>>
        tpu.wait_dma2 semaphore(%run_scoped3A : memref<!tpu.dma_semaphore, #tpu.memory_space<semaphore_mem>>) src(%arg19 : memref<128x16xf32, #tpu.memory_space<vmem>>) dst(%dma_wait3A_146 : memref<128x16xf32, #tpu.memory_space<hbm>>)
        tpu.yield
      }) : () -> ()
    }
    %scan3A_7 = arith.constant 128 : i32
    return
  }
}

module attributes {stable_mosaic.version = 14 : i64} {
  func.func @_tc_math(%arg0: i32, %arg1: memref<16x2048xf32, #tpu.memory_space<vmem>>, %arg2: memref<16x2048xf32, #tpu.memory_space<vmem>>, %arg3: memref<16x2048xf32, #tpu.memory_space<vmem>>, %arg4: memref<3x2048xf32, #tpu.memory_space<vmem>>, %arg5: memref<3x2048xf32, #tpu.memory_space<vmem>>, %arg6: memref<1x1xf32, #tpu.memory_space<vmem>>, %arg7: memref<8x2048xf32, #tpu.memory_space<vmem>>) attributes {dimension_semantics = [#tpu.dimension_semantics<arbitrary>], iteration_bounds = array<i64: 256>, scalar_prefetch = 0 : i64, scratch_operands = 0 : i64, tpu.core_type = #tpu.core_type<tc>, window_params = [{transform_indices = @transform_0, window_bounds = array<i64: 16, 2048>}, {transform_indices = @transform_1, window_bounds = array<i64: 16, 2048>}, {transform_indices = @transform_2, window_bounds = array<i64: 16, 2048>}, {transform_indices = @transform_3, window_bounds = array<i64: 3, 2048>}, {transform_indices = @transform_4, window_bounds = array<i64: 3, 2048>}, {pipeline_mode = #tpu.pipeline_mode<synchronous>, transform_indices = @transform_5, window_bounds = array<i64: 1, 1>}, {transform_indices = @transform_6, window_bounds = array<i64: 8, 2048>}]} {
    %get3A = arith.constant 0 : index
    %get3A_0 = arith.constant 0 : index
    %get3A_1 = vector.load %arg1[%get3A, %get3A_0] : memref<16x2048xf32, #tpu.memory_space<vmem>>, vector<16x2048xf32>
    %get3A_2 = arith.constant 0 : index
    %get3A_3 = arith.constant 0 : index
    %get3A_4 = vector.load %arg2[%get3A_2, %get3A_3] : memref<16x2048xf32, #tpu.memory_space<vmem>>, vector<16x2048xf32>
    %get3A_5 = arith.constant 0 : index
    %get3A_6 = arith.constant 0 : index
    %get3A_7 = vector.load %arg3[%get3A_5, %get3A_6] : memref<16x2048xf32, #tpu.memory_space<vmem>>, vector<16x2048xf32>
    %get3A_8 = arith.constant 0 : index
    %get3A_9 = arith.constant 0 : index
    %get3A_10 = vector.load %arg4[%get3A_8, %get3A_9] : memref<3x2048xf32, #tpu.memory_space<vmem>>, vector<3x2048xf32>
    %slice3A = vector.extract_strided_slice %get3A_1 {offsets = [0, 0], sizes = [3, 2048], strides = [1, 1]} : vector<16x2048xf32> to vector<3x2048xf32>
    %slice3A_11 = vector.extract_strided_slice %get3A_4 {offsets = [0, 0], sizes = [3, 2048], strides = [1, 1]} : vector<16x2048xf32> to vector<3x2048xf32>
    %sub3A = arith.subf %slice3A_11, %slice3A : vector<3x2048xf32>
    %slice3A_12 = vector.extract_strided_slice %get3A_7 {offsets = [0, 0], sizes = [3, 2048], strides = [1, 1]} : vector<16x2048xf32> to vector<3x2048xf32>
    %sub3A_13 = arith.subf %slice3A_12, %slice3A : vector<3x2048xf32>
    %sub3A_14 = arith.subf %get3A_10, %slice3A : vector<3x2048xf32>
    %mul3A = arith.mulf %sub3A, %sub3A : vector<3x2048xf32>
    %reduce_sum3A = arith.constant dense<0.000000e+00> : vector<2048xf32>
    %reduce_sum3A_15 = vector.multi_reduction <add>, %mul3A, %reduce_sum3A [0] : vector<3x2048xf32> to vector<2048xf32>
    %broadcast_in_dim3A = vector.shape_cast %reduce_sum3A_15 : vector<2048xf32> to vector<1x2048xf32>
    %mul3A_16 = arith.mulf %sub3A, %sub3A_13 : vector<3x2048xf32>
    %reduce_sum3A_17 = arith.constant dense<0.000000e+00> : vector<2048xf32>
    %reduce_sum3A_18 = vector.multi_reduction <add>, %mul3A_16, %reduce_sum3A_17 [0] : vector<3x2048xf32> to vector<2048xf32>
    %broadcast_in_dim3A_19 = vector.shape_cast %reduce_sum3A_18 : vector<2048xf32> to vector<1x2048xf32>
    %mul3A_20 = arith.mulf %sub3A_13, %sub3A_13 : vector<3x2048xf32>
    %reduce_sum3A_21 = arith.constant dense<0.000000e+00> : vector<2048xf32>
    %reduce_sum3A_22 = vector.multi_reduction <add>, %mul3A_20, %reduce_sum3A_21 [0] : vector<3x2048xf32> to vector<2048xf32>
    %broadcast_in_dim3A_23 = vector.shape_cast %reduce_sum3A_22 : vector<2048xf32> to vector<1x2048xf32>
    %mul3A_24 = arith.mulf %sub3A_14, %sub3A : vector<3x2048xf32>
    %reduce_sum3A_25 = arith.constant dense<0.000000e+00> : vector<2048xf32>
    %reduce_sum3A_26 = vector.multi_reduction <add>, %mul3A_24, %reduce_sum3A_25 [0] : vector<3x2048xf32> to vector<2048xf32>
    %broadcast_in_dim3A_27 = vector.shape_cast %reduce_sum3A_26 : vector<2048xf32> to vector<1x2048xf32>
    %mul3A_28 = arith.mulf %sub3A_14, %sub3A_13 : vector<3x2048xf32>
    %reduce_sum3A_29 = arith.constant dense<0.000000e+00> : vector<2048xf32>
    %reduce_sum3A_30 = vector.multi_reduction <add>, %mul3A_28, %reduce_sum3A_29 [0] : vector<3x2048xf32> to vector<2048xf32>
    %broadcast_in_dim3A_31 = vector.shape_cast %reduce_sum3A_30 : vector<2048xf32> to vector<1x2048xf32>
    %mul3A_32 = arith.mulf %broadcast_in_dim3A, %broadcast_in_dim3A_23 : vector<1x2048xf32>
    %mul3A_33 = arith.mulf %broadcast_in_dim3A_19, %broadcast_in_dim3A_19 : vector<1x2048xf32>
    %sub3A_34 = arith.subf %mul3A_32, %mul3A_33 : vector<1x2048xf32>
    %add3A = arith.constant 9.99999993E-9 : f32
    %add3A_35 = vector.broadcast %add3A : f32 to vector<1x2048xf32>
    %add3A_36 = arith.addf %sub3A_34, %add3A_35 : vector<1x2048xf32>
    %mul3A_37 = arith.mulf %broadcast_in_dim3A_23, %broadcast_in_dim3A_27 : vector<1x2048xf32>
    %mul3A_38 = arith.mulf %broadcast_in_dim3A_19, %broadcast_in_dim3A_31 : vector<1x2048xf32>
    %sub3A_39 = arith.subf %mul3A_37, %mul3A_38 : vector<1x2048xf32>
    %div3A = arith.divf %sub3A_39, %add3A_36 : vector<1x2048xf32>
    %mul3A_40 = arith.mulf %broadcast_in_dim3A, %broadcast_in_dim3A_31 : vector<1x2048xf32>
    %mul3A_41 = arith.mulf %broadcast_in_dim3A_19, %broadcast_in_dim3A_27 : vector<1x2048xf32>
    %sub3A_42 = arith.subf %mul3A_40, %mul3A_41 : vector<1x2048xf32>
    %div3A_43 = arith.divf %sub3A_42, %add3A_36 : vector<1x2048xf32>
    %sub3A_44 = arith.constant 1.000000e+00 : f32
    %sub3A_45 = vector.broadcast %sub3A_44 : f32 to vector<1x2048xf32>
    %sub3A_46 = arith.subf %sub3A_45, %div3A : vector<1x2048xf32>
    %sub3A_47 = arith.subf %sub3A_46, %div3A_43 : vector<1x2048xf32>
    %jit3A = arith.constant 0.000000e+00 : f32
    %jit3A_48 = arith.constant 1.000000e+00 : f32
    %max3A = vector.broadcast %jit3A : f32 to vector<1x2048xf32>
    %max3A_49 = arith.maximumf %max3A, %sub3A_47 : vector<1x2048xf32>
    %min3A = vector.broadcast %jit3A_48 : f32 to vector<1x2048xf32>
    %min3A_50 = arith.minimumf %min3A, %max3A_49 : vector<1x2048xf32>
    %jit3A_51 = arith.constant 0.000000e+00 : f32
    %jit3A_52 = arith.constant 1.000000e+00 : f32
    %max3A_53 = vector.broadcast %jit3A_51 : f32 to vector<1x2048xf32>
    %max3A_54 = arith.maximumf %max3A_53, %div3A : vector<1x2048xf32>
    %min3A_55 = vector.broadcast %jit3A_52 : f32 to vector<1x2048xf32>
    %min3A_56 = arith.minimumf %min3A_55, %max3A_54 : vector<1x2048xf32>
    %jit3A_57 = arith.constant 0.000000e+00 : f32
    %jit3A_58 = arith.constant 1.000000e+00 : f32
    %max3A_59 = vector.broadcast %jit3A_57 : f32 to vector<1x2048xf32>
    %max3A_60 = arith.maximumf %max3A_59, %div3A_43 : vector<1x2048xf32>
    %min3A_61 = vector.broadcast %jit3A_58 : f32 to vector<1x2048xf32>
    %min3A_62 = arith.minimumf %min3A_61, %max3A_60 : vector<1x2048xf32>
    %add3A_63 = arith.addf %min3A_50, %min3A_56 : vector<1x2048xf32>
    %add3A_64 = arith.addf %add3A_63, %min3A_62 : vector<1x2048xf32>
    %add3A_65 = arith.constant 9.99999993E-9 : f32
    %add3A_66 = vector.broadcast %add3A_65 : f32 to vector<1x2048xf32>
    %add3A_67 = arith.addf %add3A_64, %add3A_66 : vector<1x2048xf32>
    %div3A_68 = arith.constant 1.000000e+00 : f32
    %div3A_69 = vector.broadcast %div3A_68 : f32 to vector<1x2048xf32>
    %div3A_70 = arith.divf %div3A_69, %add3A_67 : vector<1x2048xf32>
    %mul3A_71 = arith.mulf %min3A_50, %div3A_70 : vector<1x2048xf32>
    %mul3A_72 = arith.mulf %min3A_56, %div3A_70 : vector<1x2048xf32>
    %mul3A_73 = arith.mulf %min3A_62, %div3A_70 : vector<1x2048xf32>
    %slice3A_74 = vector.extract_strided_slice %get3A_1 {offsets = [11, 0], sizes = [3, 2048], strides = [1, 1]} : vector<16x2048xf32> to vector<3x2048xf32>
    %mul3A_75 = vector.broadcast %mul3A_71 : vector<1x2048xf32> to vector<3x2048xf32>
    %mul3A_76 = arith.mulf %mul3A_75, %slice3A_74 : vector<3x2048xf32>
    %slice3A_77 = vector.extract_strided_slice %get3A_4 {offsets = [11, 0], sizes = [3, 2048], strides = [1, 1]} : vector<16x2048xf32> to vector<3x2048xf32>
    %mul3A_78 = vector.broadcast %mul3A_72 : vector<1x2048xf32> to vector<3x2048xf32>
    %mul3A_79 = arith.mulf %mul3A_78, %slice3A_77 : vector<3x2048xf32>
    %add3A_80 = arith.addf %mul3A_76, %mul3A_79 : vector<3x2048xf32>
    %slice3A_81 = vector.extract_strided_slice %get3A_7 {offsets = [11, 0], sizes = [3, 2048], strides = [1, 1]} : vector<16x2048xf32> to vector<3x2048xf32>
    %mul3A_82 = vector.broadcast %mul3A_73 : vector<1x2048xf32> to vector<3x2048xf32>
    %mul3A_83 = arith.mulf %mul3A_82, %slice3A_81 : vector<3x2048xf32>
    %add3A_84 = arith.addf %add3A_80, %mul3A_83 : vector<3x2048xf32>
    %get3A_85 = arith.constant 0 : index
    %get3A_86 = arith.constant 0 : index
    %get3A_87 = vector.load %arg5[%get3A_85, %get3A_86] : memref<3x2048xf32, #tpu.memory_space<vmem>>, vector<3x2048xf32>
    %mul3A_88 = arith.constant 2.000000e+00 : f32
    %mul3A_89 = vector.broadcast %mul3A_88 : f32 to vector<3x2048xf32>
    %mul3A_90 = arith.mulf %add3A_84, %mul3A_89 : vector<3x2048xf32>
    %sub3A_91 = arith.constant 1.000000e+00 : f32
    %sub3A_92 = vector.broadcast %sub3A_91 : f32 to vector<3x2048xf32>
    %sub3A_93 = arith.subf %mul3A_90, %sub3A_92 : vector<3x2048xf32>
    %mul3A_94 = arith.constant 2.500000e-01 : f32
    %mul3A_95 = vector.broadcast %mul3A_94 : f32 to vector<3x2048xf32>
    %mul3A_96 = arith.mulf %sub3A_93, %mul3A_95 : vector<3x2048xf32>
    %add3A_97 = arith.addf %get3A_87, %mul3A_96 : vector<3x2048xf32>
    %mul3A_98 = arith.mulf %add3A_97, %add3A_97 : vector<3x2048xf32>
    %reduce_sum3A_99 = arith.constant dense<0.000000e+00> : vector<2048xf32>
    %reduce_sum3A_100 = vector.multi_reduction <add>, %mul3A_98, %reduce_sum3A_99 [0] : vector<3x2048xf32> to vector<2048xf32>
    %broadcast_in_dim3A_101 = vector.shape_cast %reduce_sum3A_100 : vector<2048xf32> to vector<1x2048xf32>
    %sqrt3A = math.sqrt %broadcast_in_dim3A_101 : vector<1x2048xf32>
    %slice3A_102 = vector.extract_strided_slice %add3A_97 {offsets = [2, 0], sizes = [1, 2048], strides = [1, 1]} : vector<3x2048xf32> to vector<1x2048xf32>
    %add3A_103 = arith.constant 9.99999993E-9 : f32
    %add3A_104 = vector.broadcast %add3A_103 : f32 to vector<1x2048xf32>
    %add3A_105 = arith.addf %sqrt3A, %add3A_104 : vector<1x2048xf32>
    %div3A_106 = arith.divf %slice3A_102, %add3A_105 : vector<1x2048xf32>
    %jit3A_107 = arith.constant 0.000000e+00 : f32
    %jit3A_108 = arith.constant 1.000000e+00 : f32
    %max3A_109 = vector.broadcast %jit3A_107 : f32 to vector<1x2048xf32>
    %max3A_110 = arith.maximumf %max3A_109, %div3A_106 : vector<1x2048xf32>
    %min3A_111 = vector.broadcast %jit3A_108 : f32 to vector<1x2048xf32>
    %min3A_112 = arith.minimumf %min3A_111, %max3A_110 : vector<1x2048xf32>
    %get3A_113 = arith.constant 0 : index
    %get3A_114 = arith.constant 0 : index
    %get3A_115 = vector.load %arg6[%get3A_113, %get3A_114] : memref<1x1xf32, #tpu.memory_space<vmem>>, vector<1x1xf32>
    %get3A_116 = vector.extract %get3A_115[0, 0] : f32 from vector<1x1xf32>
    %mul3A_117 = arith.constant 0.460517019 : f32
    %mul3A_118 = arith.mulf %get3A_116, %mul3A_117 : f32
    %exp3A = math.exp %mul3A_118 : f32
    %mul3A_119 = arith.constant 1.90734863E-6 : f32
    %mul3A_120 = arith.mulf %exp3A, %mul3A_119 : f32
    %slice3A_121 = vector.extract_strided_slice %get3A_1 {offsets = [3, 0], sizes = [8, 2048], strides = [1, 1]} : vector<16x2048xf32> to vector<8x2048xf32>
    %mul3A_122 = vector.broadcast %mul3A_71 : vector<1x2048xf32> to vector<8x2048xf32>
    %mul3A_123 = arith.mulf %mul3A_122, %slice3A_121 : vector<8x2048xf32>
    %slice3A_124 = vector.extract_strided_slice %get3A_4 {offsets = [3, 0], sizes = [8, 2048], strides = [1, 1]} : vector<16x2048xf32> to vector<8x2048xf32>
    %mul3A_125 = vector.broadcast %mul3A_72 : vector<1x2048xf32> to vector<8x2048xf32>
    %mul3A_126 = arith.mulf %mul3A_125, %slice3A_124 : vector<8x2048xf32>
    %add3A_127 = arith.addf %mul3A_123, %mul3A_126 : vector<8x2048xf32>
    %slice3A_128 = vector.extract_strided_slice %get3A_7 {offsets = [3, 0], sizes = [8, 2048], strides = [1, 1]} : vector<16x2048xf32> to vector<8x2048xf32>
    %mul3A_129 = vector.broadcast %mul3A_73 : vector<1x2048xf32> to vector<8x2048xf32>
    %mul3A_130 = arith.mulf %mul3A_129, %slice3A_128 : vector<8x2048xf32>
    %add3A_131 = arith.addf %add3A_127, %mul3A_130 : vector<8x2048xf32>
    %mul3A_132 = vector.broadcast %mul3A_120 : f32 to vector<1x2048xf32>
    %mul3A_133 = arith.mulf %min3A_112, %mul3A_132 : vector<1x2048xf32>
    %mul3A_134 = vector.broadcast %mul3A_133 : vector<1x2048xf32> to vector<8x2048xf32>
    %mul3A_135 = arith.mulf %add3A_131, %mul3A_134 : vector<8x2048xf32>
    %swap3A = arith.constant 0 : index
    %swap3A_136 = arith.constant 0 : index
    %swap3A_137 = vector.load %arg7[%swap3A, %swap3A_136] : memref<8x2048xf32, #tpu.memory_space<vmem>>, vector<8x2048xf32>
    tpu.vector_store %arg7[%swap3A, %swap3A_136], %mul3A_135 {strides = array<i32>} : memref<8x2048xf32, #tpu.memory_space<vmem>>, vector<8x2048xf32>,
    return
  }
  func.func @transform_0(%arg0: i32) -> (i32, i32) {
    %c0_i32 = arith.constant 0 : i32
    %c0_i32_0 = arith.constant 0 : i32
    return %c0_i32, %arg0 : i32, i32
  }
  func.func @transform_1(%arg0: i32) -> (i32, i32) {
    %c0_i32 = arith.constant 0 : i32
    %c0_i32_0 = arith.constant 0 : i32
    return %c0_i32, %arg0 : i32, i32
  }
  func.func @transform_2(%arg0: i32) -> (i32, i32) {
    %c0_i32 = arith.constant 0 : i32
    %c0_i32_0 = arith.constant 0 : i32
    return %c0_i32, %arg0 : i32, i32
  }
  func.func @transform_3(%arg0: i32) -> (i32, i32) {
    %c0_i32 = arith.constant 0 : i32
    %c0_i32_0 = arith.constant 0 : i32
    return %c0_i32, %arg0 : i32, i32
  }
  func.func @transform_4(%arg0: i32) -> (i32, i32) {
    %c0_i32 = arith.constant 0 : i32
    %c0_i32_0 = arith.constant 0 : i32
    return %c0_i32, %arg0 : i32, i32
  }
  func.func @transform_5(%arg0: i32) -> (i32, i32) {
    %c0_i32 = arith.constant 0 : i32
    %c0_i32_0 = arith.constant 0 : i32
    %c0_i32_1 = arith.constant 0 : i32
    return %c0_i32, %c0_i32_0 : i32, i32
  }
  func.func @transform_6(%arg0: i32) -> (i32, i32) {
    %c0_i32 = arith.constant 0 : i32
    %c0_i32_0 = arith.constant 0 : i32
    return %c0_i32, %arg0 : i32, i32
  }
}

</mosaic_0001>

<sc_bundles>
// kernel: kernel.4.cloned.1.call-start
scs
__scs_entry_jumppad:
0x0: {  	(pc) =	sbr.rel $0x88, $3  }
0x1: {  	(tag) =	ssettag $0x0;
	lr =	simm.s32 $0x1  }
0x2: {  	[smem:$0x3F99] =	sst lr;
	_ =	strace $0xD0000000  }
0x3: {  	_ = 	snop  }
0x4: {  	_ = 	snop  }
0x5: {  	_ = 	snop  }
0x6: {  	_ = 	snop  }
0x7: {  	_ = 	snop  }
__scs_overlays_trampoline_lowered:
0x8: {  	[smem:$0x3FA8] =	sst s0  }
0x9: {  	[smem:$0x3FA9] =	sst s1  }
0xa: {  	[smem:$0x3FAA] =	sst s2  }
0xb: {  	[smem:$0x3FAB] =	sst s3  }
0xc: {  	[smem:$0x3FAC] =	sst s4  }
0xd: {  	[smem:$0x3FAD] =	sst s5  }
0xe: {  	[smem:$0x3FAE] =	sst s6  }
0xf: {  	[smem:$0x3FAF] =	sst s7  }
0x10: {  	[smem:$0x3FB0] =	sst s8  }
0x11: {  	[smem:$0x3FB1] =	sst s9;
	s0 =	simm.s32 @!p0 $0x0  }
0x12: {  	s1 =	sld [smem:$0x3F97];
	s0 =	simm.s32 @p0 $0x1  }
0x13: {  	[smem:$0x3FB2] =	sst s0;
	s0 =	simm.s32 @!p1 $0x0  }
0x14: {  	s2 =	sld [smem:$0x3F96];
	s0 =	simm.s32 @p1 $0x1  }
0x15: {  	[smem:$0x3FB3] =	sst s0;
	s0 =	simm.s32 @!p2 $0x0  }
0x16: {  	s3 =	sld [smem:$0x3FDB];
	s0 =	simm.s32 @p2 $0x1  }
0x17: {  	s4 =	simm.s32 $0x1BF5;
	[smem:$0x3FB5] =	sst s0  }
0x18: {  	s0 =	sld [smem:$0x3F98];
	_ =	swait.ge [sflag:s4], $0x0  }
0x19: {  	s7 =	sld [smem:$0x3F99]  }
0x1a: {  	s8 =	sadd.s32 $0xFFFFE003, lr  }
0x1b: {  	s9 =	sadd.s32 $0xFFFFFEF7, lr;
	s5 =	simm.s32 $0xFFFFFFFF;
	p2 =	slt.u32 s8, $0xFFFFF086  }
0x1c: {  	p1 =	slt.u32 s9, $0xF7A;
	s5 =	simm.s32 @!p2 $0x0  }
0x1d: {  	s5 =	simm.s32 @p1 $0x1;
	p0 =	seq.s32 s7, s2  }
0x1e: {  	s7 =	smul.u32 @!p0 $0xF7A, s2;
	p2 =	seq.s32 @!p0 s5, $0x0  }
0x1f: {  	s9 =	smul.u32 $0xF7A, s1;
	s8 =	simm.s32 @!p0 $0x1BF5;
	p2 =	por !p2, p0  }
0x20: {  	[sflag:s8] =	ssyncset.s32 @!p0 $0xFFFFF086;
	s6 =	sadd.s32 @!p0 s3, s7;
	s7 =	simm.s32 @!p0 $0x108  }
0x21: {  	s3 =	sadd.s32 s3, s9;
	s6 =	sadd.s32 @!p0 $0x88, s6;
	s7 =	simm.s32 @p2 $0x1082  }
0x22: {  	[simem:s7], [sflag:s8] =	dma.local @!p0 [hbm:s6], $0xF7A  }
0x23: {  	s9 =	sor.u32 $0xD0000000, s2;
	s6 =	simm.s32 $0x108;
	_ =	swait.ge @!p0 [sflag:s8], $0x0  }
0x24: {  	s3 =	sadd.s32 $0x88, s3;
	s6 =	simm.s32 @!p1 $0x1082;
	[sflag:s4] =	ssyncset.s32 $0xFFFFF086  }
0x25: {  	[simem:s6], [sflag:s4] =	dma.local [hbm:s3], $0xF7A  }
0x26: {  	[smem:$0x3F99] =	sst s1;
	(tag) =	ssettag s2;
	_ =	strace s9  }
0x27: {  	s1 =	sld [smem:$0x3FA9]  }
0x28: {  	s2 =	sld [smem:$0x3FAA]  }
0x29: {  	s4 =	sld [smem:$0x3FAC]  }
0x2a: {  	p0 =	seq.s32 s5, $0x0;
	s5 =	sld [smem:$0x3FAD]  }
0x2b: {  	s6 =	sld [smem:$0x3FAE]  }
0x2c: {  	s7 =	sld [smem:$0x3FAF]  }
0x2d: {  	s3 =	simm.s32 $0x108;
	s8 =	sld [smem:$0x3FB0]  }
0x2e: {  	s3 =	simm.s32 @!p0 $0x1082;
	s9 =	sld [smem:$0x3FB1]  }
0x2f: {  	lr =	sadd.s32 s0, s3;
	s0 =	sld [smem:$0x3FA8]  }
0x30: {  	s3 =	sld [smem:$0x3FAB]  }
0x31: {  	[smem:$0x3FB4] =	sst s10  }
0x32: {  	s10 =	sld [smem:$0x3FB2];
	_ =	sdelay $0x3  }
0x33: {  	p0 =	seq.s32 s10, $0x1;
	s10 =	sld [smem:$0x3FB4];
	_ =	sdelay $0x3  }
0x34: {  	[smem:$0x3FB4] =	sst s10  }
0x35: {  	s10 =	sld [smem:$0x3FB3];
	_ =	sdelay $0x3  }
0x36: {  	p1 =	seq.s32 s10, $0x1;
	s10 =	sld [smem:$0x3FB4];
	_ =	sdelay $0x3  }
0x37: {  	[smem:$0x3FB4] =	sst s10  }
0x38: {  	s10 =	sld [smem:$0x3FB5]  }
0x39: {  	_ = 	snop;
	(pc) =	sbr.ind lr, $3  }
0x3a: {  	_ = 	snop  }
0x3b: {  	_ = 	snop  }
0x3c: {  	p2 =	seq.s32 s10, $0x1;
	s10 =	sld [smem:$0x3FB4]  }
0x3d: {  	_ =	shalt  }
0x3e: {  	_ =	shalt  }
0x3f: {  	_ =	shalt  }
0x40: {  	_ =	shalt  }
0x41: {  	_ =	shalt  }
0x42: {  	_ =	shalt  }
0x43: {  	_ =	shalt  }
0x44: {  	_ =	shalt  }
0x45: {  	_ =	shalt  }
0x46: {  	_ =	shalt  }
0x47: {  	_ =	shalt  }
0x48: {  	_ =	shalt  }
0x49: {  	_ =	shalt  }
0x4a: {  	_ =	shalt  }
0x4b: {  	_ =	shalt  }
0x4c: {  	_ =	shalt  }
0x4d: {  	_ =	shalt  }
0x4e: {  	_ =	shalt  }
0x4f: {  	_ =	shalt  }
0x50: {  	_ =	shalt  }
0x51: {  	_ =	shalt  }
0x52: {  	_ =	shalt  }
0x53: {  	_ =	shalt  }
0x54: {  	_ =	shalt  }
0x55: {  	_ =	shalt  }
0x56: {  	_ =	shalt  }
0x57: {  	_ =	shalt  }
0x58: {  	_ =	shalt  }
0x59: {  	_ =	shalt  }
0x5a: {  	_ =	shalt  }
0x5b: {  	_ =	shalt  }
0x5c: {  	_ =	shalt  }
0x5d: {  	_ =	shalt  }
0x5e: {  	_ =	shalt  }
0x5f: {  	_ =	shalt  }
0x60: {  	_ =	shalt  }
0x61: {  	_ =	shalt  }
0x62: {  	_ =	shalt  }
0x63: {  	_ =	shalt  }
0x64: {  	_ =	shalt  }
0x65: {  	_ =	shalt  }
0x66: {  	_ =	shalt  }
0x67: {  	_ =	shalt  }
0x68: {  	_ =	shalt  }
0x69: {  	_ =	shalt  }
0x6a: {  	_ =	shalt  }
0x6b: {  	_ =	shalt  }
0x6c: {  	_ =	shalt  }
0x6d: {  	_ =	shalt  }
0x6e: {  	_ =	shalt  }
0x6f: {  	_ =	shalt  }
0x70: {  	_ =	shalt  }
0x71: {  	_ =	shalt  }
0x72: {  	_ =	shalt  }
0x73: {  	_ =	shalt  }
0x74: {  	_ =	shalt  }
0x75: {  	_ =	shalt  }
0x76: {  	_ =	shalt  }
0x77: {  	_ =	shalt  }
0x78: {  	_ =	shalt  }
0x79: {  	_ =	shalt  }
0x7a: {  	_ =	shalt  }
0x7b: {  	_ =	shalt  }
0x7c: {  	_ =	shalt  }
0x7d: {  	_ =	shalt  }
0x7e: {  	_ =	shalt  }
0x7f: {  	_ =	shalt  }
0x80: {  	_ =	shalt  }
0x81: {  	_ =	shalt  }
0x82: {  	_ =	shalt  }
0x83: {  	_ =	shalt  }
0x84: {  	_ =	shalt  }
0x85: {  	_ =	shalt  }
0x86: {  	_ =	shalt  }
0x87: {  	_ =	shalt  }
.Lfunc_end0:
.L_simem_size_0:
called_computation_lowered:
.L_overlay_start_0:
0x88: {  	s2 =	sld [smem:$0x3FD9]  }
0x89: {  	s3 =	sld [smem:$0x3FFE];
	_ =	sdelay $0x1  }
0x8a: {  	s1 =	srdreg.scid  }
0x8b: {  	s0 =	sand.u32 $0x1, s1  }
0x8c: {  	s17 =	sshll.u32 s0, $0xA;
	s2 =	sadd.s32 s3, s2  }
0x8d: {  	s2 =	sadd.s32 s2, s17  }
0x8e: {  	[smem:$0x3FC0] =	sst s2  }
0x8f: {  	_ = 	snop  }
0x90: {  	s2 =	sld [smem:$0x3FC7]  }
0x91: {  	s18 =	sld [smem:$0x3FD0];
	(tm) =	ssettm $0x1  }
0x92: {  	s4 =	sld [smem:$0x3FFB];
	_ =	sdelay $0x3  }
0x93: {  	_ =	strace s4  }
0x94: {  	s4 =	sld [smem:$0x3FFC];
	_ =	sdelay $0x3  }
0x95: {  	_ =	strace s4  }
0x96: {  	s4 =	sld [smem:$0x3FFD];
	_ =	sdelay $0x3  }
0x97: {  	_ =	strace s4  }
0x98: {  	_ =	strace $0x8FFFFFFF  }
0x99: {  	s19 =	sld [smem:$0x3FDB];
	_ =	sdelay $0x1  }
0x9a: {  	s5 =	simm.s32 $_scs_section_size  }
0x9b: {  	s6 =	simm.s32 $_size__tile_overlayer_lowered;
	s7 =	simm.s32 $_tile_overlayer_lowered  }
0x9c: {  	s22 =	simm.s32 $0x1BFF;
	s21 =	sshll.u32 s7, $0x1;
	s4 =	sadd.s32 s5, s19  }
0x9d: {  	s8 =	simm.s32 $0x0;
	s20 =	sshll.u32 s6, $0x1;
	s6 =	sadd.s32 s21, s4  }
0x9e: {  	[timem:s8], [sflag:s22] =	dma.local [hbm:s6], s20  }
0x9f: {  	_ =	swait.ge [sflag:s22], s20  }
0xa0: {  	s5 =	ssub.s32 $0x0, s20;
	[sflag:s22] =	ssyncset.done $0x0  }
0xa1: {  	[sflag:s22] =	ssyncadd.s32 s5;
	_ =	sdelay $0x1  }
0xa2: {  	s23 =	simm.s32 $0x1B8B  }
0xa3: {  	_ =	swait.ge [sflag:s23], $0x1  }
0xa4: {  	[sflag:s23] =	ssyncset.done $0x0  }
0xa5: {  	s25 =	simm.s32 $0x1B8E;
	s24 =	sld [smem:$0x3FFE];
	[sflag:s23] =	ssyncadd.s32 $0xFFFFFFFF  }
0xa6: {  	s26 =	simm.s32 $execute0_lowered;
	[smem:$0x3FD2] =	sst s25  }
0xa7: {  	s6 =	sshll.u32 s26, $0x1;
	_ =	strace $0x80000046;
	[dreg:$0x1] =	wrdreg $0xFFFFFFFF  }
0xa8: {  	s28 =	simm.s32 $_size_execute0_lowered;
	s4 =	sadd.s32 s4, s6;
	[dreg:$0x0] =	wrdreg $0x0  }
0xa9: {  	s6 =	sshll.u32 s28, $0x1;
	[dreg:$0x2] =	wrdreg s4  }
0xaa: {  	[dreg:$0x3] =	wrdreg s6  }
0xab: {  	[dreg:$0x4] =	wrdreg $0xC0  }
0xac: {  	_ =	task [dreg:s8], $0x5FFFF  }
0xad: {  	[dreg:$0x1] =	wrdreg $0xFFFFFFFF  }
0xae: {  	[dreg:$0x0] =	wrdreg $0x60  }
0xaf: {  	[dreg:$0x2] =	wrdreg s2  }
0xb0: {  	[dreg:$0x3] =	wrdreg s24  }
0xb1: {  	[dreg:$0x4] =	wrdreg s18  }
0xb2: {  	[dreg:$0x5] =	wrdreg $0x9  }
0xb3: {  	_ =	task.clear_ibuf [dreg:s8], $0x6FFFF;
	_ =	strace $0x90000046  }
0xb4: {  	s29 =	simm.s32 $0x9;
	_ =	strace $0x80000048  }
0xb5: {  	_ =	swait.ge [sflag:s29], $0x1  }
0xb6: {  	[sflag:s29] =	ssyncadd.s32 $0xFFFFFFFF  }
0xb7: {  	_ =	strace $0x90000048  }
0xb8: {  	_ =	sfence  }
0xb9: {  	s30 =	sld [smem:$0x0];
	_ =	sdelay $0x2  }
0xba: {  	s31 =	sshll.u32 s1, $0xD;
	s1 =	sshrl.u32 s1, $0x2  }
0xbb: {  	s3 =	sand.u32 $0x4000, s31;
	s1 =	sadd.s32 s1, s30  }
0xbc: {  	s0 =	sor.u32 s3, s0;
	s1 =	sshll.u32 s1, $0x11  }
0xbd: {  	s0 =	sor.u32 s1, s0  }
0xbe: {  	s0 =	sadd.s32 $0x8F2B, s0  }
0xbf: {  	[sflag:s0] =	ssyncadd.remote.s32 $0x1  }
0xc0: {  	_ =	sfence.sel $0xFFFF  }
0xc1: {  	[dreg:$0x0] =	wrdreg $0xFFFFFFFF;
	(pc) =	sbr.abs _section_cstart, $3  }
0xc2: {  	[dreg:$0x1] =	wrdreg $0xFFFFFFFF  }
0xc3: {  	_ =	task.clear_ibuf [dreg:s8], $0x2FFFF;
	_ =	strace $0x9FFFFFFF  }
0xc4: {  	(tm) =	ssettm $0x7FFFFFFF  }
0xc5: {  	_ =	shalt  }
tec
execute0_lowered:
.L_overlay_start_1:
0x0: {  	(tag) =	ssettag $0x1  }
0x1: {  	s11 =	rddreg [dreg:$0x0]  }
0x2: {  	s9 =	rddreg [dreg:$0x1]  }
0x3: {  	s1 =	rddreg [dreg:$0x2]  }
0x4: {  	s0 =	rddreg [dreg:$0x3]  }
0x5: {  	s2 =	simm.s32 $0x0;
	s7 =	srdreg.scid;
	s3 =	stileid.u32  }
0x6: {  	s15 =	simm.s32 $0x100;
	s16 =	simm.s32 $0x180;
	s17 =	simm.s32 $0x1  }
0x7: {  	s18 =	simm.s32 $0x200;
	s19 =	simm.s32 $0x4200;
	s20 =	simm.s32 $0x8200  }
0x8: {  	s21 =	simm.s32 $0xC200;
	s22 =	simm.s32 $0x10200;
	s23 =	simm.s32 $0x14200  }
0x9: {  	s24 =	simm.s32 $0x0;
	[smem:$0x7FF] =	sst s2;
	s4 =	sadd.s32 $0x6400, s9  }
0xa: {  	s5 =	sadd.s32 $0x200, s9;
	s6 =	sadd.s32 $0x4A0400, s9;
	s10 =	sand.u32 $0x1, s7  }
0xb: {  	s7 =	sadd.s32 $0x626E00, s9;
	s13 =	sshll.u32 s3, $0x1;
	s8 =	sadd.s32 $0xE26E00, s9  }
0xc: {  	s9 =	sadd.s32 $0x1626E00, s9;
	s12 =	ssub.s32 $0x2, s10;
	s10 =	sor.u32 s10, s13  }
0xd: {  	_ =	strace $0x80000047;
	s14 =	sshrl.u32 s12, $0x1;
	s13 =	sshll.u32 s10, $0xB  }
0xe: {  	s10 =	sshll.u32 s10, $0x12;
	s12 =	ssub.s32 s12, s14;
	s11 =	sadd.s32 s11, s13  }
0xf: {  	s13 =	simm.s32 $0x2;
	s14 =	simm.s32 $0x80;
	s12 =	smax.u32 s12, $0x1  }
.LBB2_1:
0x10: {  	s25 =	simm.s32 $0x0  }
.LBB2_2:
0x11: {  	s26 =	sshll.u32 s25, $0x4  }
0x12: {  	s28 =	simm.s32 $0x0;
	s26 =	sadd.s32 s26, s11  }
0x13: {  	[tilespmem:s28], [sflag:$0x2] =	stream.linear.gather [hbm4b:s26+s28], $0x80, $0x38;
	[tilespmem:$0x18200] =	vst v63  }
0x14: {  	_ =	swait.ge [sflag:s13], $0x80  }
0x15: {  	[sflag:s13] =	ssyncset.done $0x0  }
0x16: {  	[sflag:s13] =	ssyncadd.s32 $0xFFFFFF80  }
0x17: {  	[tilespmem:s14], [sflag:$0x1] =	stream.indirect.gather [hbm4b:s4+s14], $0x1, s28, s14, $0xb8;
	[tilespmem:$0x18200] =	vst v63  }
0x18: {  	_ = 	snop  }
0x19: {  	[tilespmem:s15], [sflag:$0x1] =	stream.indirect.gather [hbm4b:s5+s14], $0x1, s28, s14, $0xb8;
	[tilespmem:$0x18200] =	vst v63  }
0x1a: {  	_ = 	snop  }
0x1b: {  	[tilespmem:s16], [sflag:$0x1] =	stream.indirect.gather [hbm4b:s1+s14], $0x1, s28, s14, $0xb8;
	[tilespmem:$0x18200] =	vst v63  }
0x1c: {  	_ =	swait.ge [sflag:s17], $0x80  }
0x1d: {  	[sflag:s17] =	ssyncset.done $0x0  }
0x1e: {  	[sflag:s17] =	ssyncadd.s32 $0xFFFFFF80  }
0x1f: {  	_ =	swait.ge [sflag:s17], $0x80  }
0x20: {  	[sflag:s17] =	ssyncset.done $0x0  }
0x21: {  	[sflag:s17] =	ssyncadd.s32 $0xFFFFFF80  }
0x22: {  	_ =	swait.ge [sflag:s17], $0x80  }
0x23: {  	[sflag:s17] =	ssyncset.done $0x0  }
0x24: {  	[sflag:s17] =	ssyncadd.s32 $0xFFFFFF80  }
0x25: {  	[tilespmem:s18], [sflag:$0x1] =	stream.indirect.gather [hbm4b:s6+s14], $0x80, s14, s14, $0xb8;
	[tilespmem:$0x18200] =	vst v63  }
0x26: {  	_ = 	snop  }
0x27: {  	[tilespmem:s19], [sflag:$0x1] =	stream.indirect.gather [hbm4b:s6+s14], $0x80, s15, s14, $0xb8;
	[tilespmem:$0x18200] =	vst v63  }
0x28: {  	_ = 	snop  }
0x29: {  	[tilespmem:s20], [sflag:$0x1] =	stream.indirect.gather [hbm4b:s6+s14], $0x80, s16, s14, $0xb8;
	[tilespmem:$0x18200] =	vst v63  }
0x2a: {  	_ =	swait.ge [sflag:s17], $0x4000  }
0x2b: {  	[sflag:s17] =	ssyncset.done $0x0  }
0x2c: {  	[sflag:s17] =	ssyncadd.s32 $0xFFFFC000  }
0x2d: {  	_ =	swait.ge [sflag:s17], $0x4000  }
0x2e: {  	[sflag:s17] =	ssyncset.done $0x0  }
0x2f: {  	[sflag:s17] =	ssyncadd.s32 $0xFFFFC000  }
0x30: {  	_ =	swait.ge [sflag:s17], $0x4000  }
0x31: {  	[sflag:s17] =	ssyncset.done $0x0  }
0x32: {  	s26 =	simm.s32 $0x0;
	[sflag:s17] =	ssyncadd.s32 $0xFFFFC000  }
0x33: {  	v1 =	vld [tilespmem:s26+$0x8200]  }
0x34: {  	v0 =	vld [tilespmem:s26+$0x200]  }
0x35: {  	s28 =	simm.s32 $0x200;
	v2 =	vld [tilespmem:s26+$0x4200]  }
.LBB2_3:
0x36: {  	p0 =	sne.s32 s28, $0xFE00  }
.Ltmp0:
0x37: {  	_ = 	snop;
	(pc) =	sbr.rel @p0 .LBB2_3-.Ltmp0, $4  }
0x38: {  	s29 =	sshra.s32 s28, $0x2;
	[tilespmem:s26+$0x14200] =	vst v1  }
0x39: {  	v1 =	vld [tilespmem:s29+$0x8200];
	[tilespmem:s26+$0xC200] =	vst v0  }
0x3a: {  	v0 =	vld [tilespmem:s29+$0x200];
	[tilespmem:s26+$0x10200] =	vst v2;
	s26 =	smov.u32 s29  }
0x3b: {  	s28 =	sadd.s32 $0x200, s28;
	v2 =	vld [tilespmem:s26+$0x4200]  }
0x3c: {  	_ =	sdelay $0x1  }
0x3d: {  	s28 =	sshll.u32 s25, $0xB;
	[tilespmem:s26+$0x14200] =	vst v1  }
0x3e: {  	s28 =	sadd.s32 s10, s28;
	[tilespmem:s26+$0xC200] =	vst v0  }
0x3f: {  	s29 =	sadd.s32 s7, s28;
	[tilespmem:s26+$0x10200] =	vst v2  }
0x40: {  	[hbm4b:s29+s2] =	stream.linear.scatter [tilespmem:s21], [sflag:$0x2], $0x4000, $0x38;
	[tilespmem:$0x18200] =	vst v63  }
0x41: {  	_ =	swait.ge [sflag:s13], $0x4000  }
0x42: {  	[sflag:s13] =	ssyncset.done $0x0  }
0x43: {  	s30 =	sadd.s32 s8, s28;
	[sflag:s13] =	ssyncadd.s32 $0xFFFFC000  }
0x44: {  	[hbm4b:s30+s2] =	stream.linear.scatter [tilespmem:s22], [sflag:$0x2], $0x4000, $0x38;
	[tilespmem:$0x18200] =	vst v63  }
0x45: {  	s25 =	sadd.s32 $0x1, s25;
	_ =	swait.ge [sflag:s13], $0x4000  }
0x46: {  	p0 =	sne.s32 s25, $0x80;
	[sflag:s13] =	ssyncset.done $0x0  }
.Ltmp1:
0x47: {  	s31 =	sadd.s32 s9, s28;
	[sflag:s13] =	ssyncadd.s32 $0xFFFFC000;
	(pc) =	sbr.rel @p0 .LBB2_2-.Ltmp1, $4  }
0x48: {  	[hbm4b:s31+s2] =	stream.linear.scatter [tilespmem:s23], [sflag:$0x2], $0x4000, $0x38;
	[tilespmem:$0x18200] =	vst v63  }
0x49: {  	_ =	swait.ge [sflag:s13], $0x4000  }
0x4a: {  	[sflag:s13] =	ssyncset.done $0x0  }
0x4b: {  	[sflag:s13] =	ssyncadd.s32 $0xFFFFC000  }
0x4c: {  	s24 =	sadd.s32 $0x1, s24  }
0x4d: {  	p0 =	sne.s32 s24, s12  }
.Ltmp2:
0x4e: {  	_ = 	snop;
	(pc) =	sbr.rel @p0 .LBB2_1-.Ltmp2, $1  }
0x4f: {  	_ =	sdelay $0x3  }
0x50: {  	_ =	sfence.sel $0x180000  }
0x51: {  	[bflag:$0x0] =	sbarrier.arrive $0xFFFF  }
0x52: {  	p0 =	sne.s32 s3, $0x0;
	_ =	strace $0x90000047  }
0x53: {  	s0 =	sadd.s32 @!p0 $0x100000, s0;
	[bflag:$0x2] =	sbarrier.arrive $0xFFFF  }
0x54: {  	[sflag:s0] =	ssyncadd.tile.s32 @!p0 $0x1;
	_ =	shalt  }
.Lfunc_end2:
_tile_overlayer_lowered:
.L_overlay_start_2:
0x55: {  	(tag) =	ssettag $0x2  }
0x56: {  	s0 =	rddreg [dreg:$0x0];
	s2 =	stileid.u32  }
0x57: {  	s1 =	rddreg [dreg:$0x1];
	p0 =	sne.s32 s2, $0x0  }
0x58: {  	s3 =	rddreg [dreg:$0x2];
	[bflag:$0x3] =	sbarrier.arrive $0xFFFF;
	s2 =	simm.s32 @!p0 $0x1C02  }
0x59: {  	[timem:s3], [sflag:s2] =	dma.local @!p0 [hbm:s0], s1  }
0x5a: {  	s0 =	simm.s32 @!p0 $0x2  }
0x5b: {  	_ =	swait.ge @!p0 [sflag:s0], s1  }
0x5c: {  	s1 =	ssub.s32 @!p0 $0x0, s1;
	[sflag:s0] =	ssyncset.done @!p0 $0x0  }
0x5d: {  	[sflag:s0] =	ssyncadd.s32 @!p0 s1  }
0x5e: {  	[bflag:$0x3] =	sbarrier.arrive $0xFFFF  }
0x5f: {  	_ =	shalt  }

</sc_bundles>
